<compile_context>
chip_gen: v7x
topology: tpu7x:2x2x1
jax: 0.10.2.dev20260603
libtpu: 0.0.44.dev20260713+nightly
codegen_flags: <defaults>
</compile_context>

<pallas_src>
import functools

import jax
import jax.numpy as jnp
from jax import lax
from jax.experimental import pallas as pl
from jax.experimental.pallas import tpu as pltpu
from jax.experimental.pallas import tpu_sc as plsc

K_TAPS = 4
DILATION = 2
BC = 128


def _sc_copy_plane(x1, B, C, T):
    R = B * C
    info = plsc.get_sparse_core_info()
    num_workers = info.num_cores * info.num_subcores
    rows_per_w = R // num_workers
    mesh = plsc.VectorSubcoreMesh(core_axis_name="c", subcore_axis_name="s")

    @functools.partial(
        pl.kernel,
        mesh=mesh,
        out_type=jax.ShapeDtypeStruct((B * K_TAPS * C * T,), jnp.float32),
        scratch_types=[pltpu.SemaphoreType.DMA],
    )
    def copy_plane(x_hbm, out_hbm, sem):
        cid = lax.axis_index("c")
        sid = lax.axis_index("s")
        wid = sid * info.num_cores + cid
        row0 = wid * rows_per_w
        b = row0 // C
        c0 = row0 - b * C
        dst = (b * K_TAPS + (K_TAPS - 1)) * C + c0
        pltpu.async_copy(
            x_hbm.at[pl.ds(pl.multiple_of(row0 * T, 8), rows_per_w * T)],
            out_hbm.at[pl.ds(pl.multiple_of(dst * T, 8), rows_per_w * T)],
            sem,
        ).wait()

    return copy_plane(x1)


def kernel(x):
    B, C, T = x.shape
    o4 = _sc_copy_plane(x.reshape(B * C * T), B, C, T).reshape(B, K_TAPS, C, T)

    def body(x_ref, o_alias_ref, o_ref):
        xv = x_ref[0]
        for k in range(K_TAPS - 1):
            s = (K_TAPS - 1 - k) * DILATION
            o_ref[0, k] = jnp.concatenate(
                [jnp.zeros((BC, s), jnp.float32), xv[:, : T - s]], axis=1
            )

    out4 = pl.pallas_call(
        body,
        grid=(B, C // BC),
        in_specs=[
            pl.BlockSpec((1, BC, T), lambda b, c: (b, c, 0)),
            pl.BlockSpec(memory_space=pl.ANY),
        ],
        out_specs=pl.BlockSpec((1, K_TAPS - 1, BC, T), lambda b, c: (b, 0, c, 0)),
        out_shape=jax.ShapeDtypeStruct((B, K_TAPS, C, T), jnp.float32),
        input_output_aliases={1: 0},
    )(x, o4)
    return out4.reshape(B, K_TAPS * C, T)

# --- scband reference (transcript-rebuilt; emitter-appended) ---
"""Pipeline reference for scband-temporal-unfold1d-19490561589739 (READ-ONLY COPY).

The authoritative reference and input builder live on the scoring server;
editing this copy changes nothing except your own understanding.
"""

import jax, jax.numpy as jnp
import numpy as np

KERNEL_SIZE = 4
DILATION = 2
BUFFSIZE = (KERNEL_SIZE - 1) * DILATION


def setup_inputs(seed: int = 0) -> dict:
    key = jax.random.key(seed)
    x = jax.random.normal(key, (2, 768, 4096), dtype=jnp.float32)
    return {"x": x}


def reference(x):
    # Faithful translation of TemporalUnfold1d.forward.
    # The torch code: left-pads with buffsize zeros, runs nn.Unfold((1,K),(1,dilation))
    # producing unfold_out[b, c*K + k, t] = x_pad[b, c, t + k*dilation], then gathers
    # with indices (K*arange(C) + k concatenated over k), which permutes channels to
    # out[b, k*C + c, t] = x_pad[b, c, t + k*dilation].
    B, C, T = x.shape
    buffer = jnp.zeros((B, C, BUFFSIZE), dtype=x.dtype)
    x_pad = jnp.concatenate([buffer, x], axis=-1)
    # slice k: x_pad[:, :, k*dilation : k*dilation + T]
    slices = [jax.lax.dynamic_slice_in_dim(x_pad, k * DILATION, T, axis=2) for k in range(KERNEL_SIZE)]
    # concatenate over kernel positions along the channel axis -> (B, K*C, T)
    out = jnp.concatenate(slices, axis=1)
    return out

if __name__ == "__main__":
    import jax
    _d = setup_inputs()
    print(jax.jit(kernel)(*tuple(_d.values())))

</pallas_src>

<mosaic_0001>
#map = affine_map<(d0, d1) -> (0)>
module attributes {stable_mosaic.version = 14 : i64} {
  func.func @copy_plane(%arg0: i32, %arg1: i32, %arg2: memref<6291456xf32, #tpu.memory_space<hbm>>, %arg3: memref<25165824xf32, #tpu.memory_space<hbm>>, %arg4: memref<!tpu.dma_semaphore, #tpu.memory_space<semaphore_mem>>) attributes {dimension_semantics = [#tpu.dimension_semantics<core_parallel>, #tpu.dimension_semantics<subcore_parallel>], iteration_bounds = array<i64: 2, 16>, scalar_prefetch = 0 : i64, scratch_operands = 1 : i64, tpu.core_type = #tpu.core_type<sc_vector_subcore>, window_params = [{transform_indices = #map}, {transform_indices = #map}]} {
    %mul3A = arith.constant 2 : i32
    %mul3A_0 = arith.muli %arg1, %mul3A : i32
    %add3A = arith.addi %mul3A_0, %arg0 : i32
    %mul3A_1 = arith.constant 48 : i32
    %mul3A_2 = arith.muli %add3A, %mul3A_1 : i32
    %jit3A = arith.constant 768 : i32
    %div3A = arith.divsi %mul3A_2, %jit3A : i32
    %sign3A = arith.constant 0 : i32
    %sign3A_3 = arith.cmpi sgt, %mul3A_2, %sign3A : i32
    %sign3A_4 = arith.extui %sign3A_3 : i1 to i32
    %sign3A_5 = arith.constant 0 : i32
    %sign3A_6 = arith.cmpi slt, %mul3A_2, %sign3A_5 : i32
    %sign3A_7 = arith.extui %sign3A_6 : i1 to i32
    %sign3A_8 = arith.subi %sign3A_4, %sign3A_7 : i32
    %sign3A_9 = arith.constant 0 : i32
    %sign3A_10 = arith.cmpi sgt, %jit3A, %sign3A_9 : i32
    %sign3A_11 = arith.extui %sign3A_10 : i1 to i32
    %sign3A_12 = arith.constant 0 : i32
    %sign3A_13 = arith.cmpi slt, %jit3A, %sign3A_12 : i32
    %sign3A_14 = arith.extui %sign3A_13 : i1 to i32
    %sign3A_15 = arith.subi %sign3A_11, %sign3A_14 : i32
    %ne3A = arith.cmpi ne, %sign3A_8, %sign3A_15 : i32
    %rem3A = arith.remsi %mul3A_2, %jit3A : i32
    %ne3A_16 = arith.constant 0 : i32
    %ne3A_17 = arith.cmpi ne, %rem3A, %ne3A_16 : i32
    %and3A = arith.andi %ne3A, %ne3A_17 : i1
    %sub3A = arith.constant 1 : i32
    %sub3A_18 = arith.subi %div3A, %sub3A : i32
    %select_n3A = arith.select %and3A, %sub3A_18, %div3A : i32
    %mul3A_19 = arith.constant 768 : i32
    %mul3A_20 = arith.muli %select_n3A, %mul3A_19 : i32
    %sub3A_21 = arith.subi %mul3A_2, %mul3A_20 : i32
    %mul3A_22 = arith.constant 4 : i32
    %mul3A_23 = arith.muli %select_n3A, %mul3A_22 : i32
    %add3A_24 = arith.constant 3 : i32
    %add3A_25 = arith.addi %mul3A_23, %add3A_24 : i32
    %mul3A_26 = arith.constant 768 : i32
    %mul3A_27 = arith.muli %add3A_25, %mul3A_26 : i32
    %add3A_28 = arith.addi %mul3A_27, %sub3A_21 : i32
    %mul3A_29 = arith.constant 4096 : i32
    %mul3A_30 = arith.muli %mul3A_2, %mul3A_29 : i32
    %multiple_of3A = tpu.assume_multiple %mul3A_30, 8 : i32
    %mul3A_31 = arith.constant 4096 : i32
    %mul3A_32 = arith.muli %add3A_28, %mul3A_31 : i32
    %multiple_of3A_33 = tpu.assume_multiple %mul3A_32, 8 : i32
    %dma_start3A = tpu.memref_slice %arg3[%multiple_of3A_33] : memref<25165824xf32, #tpu.memory_space<hbm>> -> memref<196608xf32, #tpu.memory_space<hbm>>
    %dma_start3A_34 = tpu.memref_slice %arg2[%multiple_of3A] : memref<6291456xf32, #tpu.memory_space<hbm>> -> memref<196608xf32, #tpu.memory_space<hbm>>
    tpu.enqueue_dma source(%dma_start3A_34 : memref<196608xf32, #tpu.memory_space<hbm>>) target(%dma_start3A : memref<196608xf32, #tpu.memory_space<hbm>>) target_semaphore(%arg4 : memref<!tpu.dma_semaphore, #tpu.memory_space<semaphore_mem>>)
    %dma_wait3A = tpu.memref_slice %arg3[%multiple_of3A_33] : memref<25165824xf32, #tpu.memory_space<hbm>> -> memref<196608xf32, #tpu.memory_space<hbm>>
    %dma_wait3A_35 = tpu.memref_slice %arg2[%multiple_of3A] : memref<6291456xf32, #tpu.memory_space<hbm>> -> memref<196608xf32, #tpu.memory_space<hbm>>
    tpu.wait_dma2 semaphore(%arg4 : memref<!tpu.dma_semaphore, #tpu.memory_space<semaphore_mem>>) src(%dma_wait3A_35 : memref<196608xf32, #tpu.memory_space<hbm>>) dst(%dma_wait3A : memref<196608xf32, #tpu.memory_space<hbm>>)
    return
  }
}

module attributes {stable_mosaic.version = 14 : i64} {
  func.func @body(%arg0: i32, %arg1: i32, %arg2: memref<1x128x4096xf32, #tpu.memory_space<vmem>>, %arg3: memref<2x4x768x4096xf32, #tpu.memory_space<any>>, %arg4: memref<1x3x128x4096xf32, #tpu.memory_space<vmem>>) attributes {dimension_semantics = [#tpu.dimension_semantics<arbitrary>, #tpu.dimension_semantics<arbitrary>], iteration_bounds = array<i64: 2, 6>, scalar_prefetch = 0 : i64, scratch_operands = 0 : i64, tpu.core_type = #tpu.core_type<tc>, window_params = [{transform_indices = @transform_0, window_bounds = array<i64: 1, 128, 4096>}, {}, {transform_indices = @transform_2, window_bounds = array<i64: 1, 3, 128, 4096>}]} {
    %get3A = arith.constant 0 : index
    %get3A_0 = arith.constant 0 : index
    %get3A_1 = arith.constant 0 : index
    %get3A_2 = vector.load %arg2[%get3A, %get3A_0, %get3A_1] : memref<1x128x4096xf32, #tpu.memory_space<vmem>>, vector<1x128x4096xf32>
    %get3A_3 = vector.shape_cast %get3A_2 : vector<1x128x4096xf32> to vector<128x4096xf32>
    %broadcast_in_dim3A = arith.constant 0.000000e+00 : f32
    %broadcast_in_dim3A_4 = vector.broadcast %broadcast_in_dim3A : f32 to vector<128x6xf32>
    %slice3A = vector.extract_strided_slice %get3A_3 {offsets = [0, 0], sizes = [128, 4090], strides = [1, 1]} : vector<128x4096xf32> to vector<128x4090xf32>
    %concatenate3A = tpu.concatenate %broadcast_in_dim3A_4, %slice3A in 1 : vector<128x6xf32>, vector<128x4090xf32> -> vector<128x4096xf32>
    %swap3A = arith.constant 0 : index
    %swap3A_5 = arith.constant 0 : index
    %swap3A_6 = arith.constant 0 : index
    %swap3A_7 = arith.constant 0 : index
    %swap3A_8 = vector.load %arg4[%swap3A, %swap3A_5, %swap3A_6, %swap3A_7] : memref<1x3x128x4096xf32, #tpu.memory_space<vmem>>, vector<1x1x128x4096xf32>
    %swap3A_9 = vector.shape_cast %swap3A_8 : vector<1x1x128x4096xf32> to vector<128x4096xf32>
    %swap3A_10 = vector.shape_cast %concatenate3A : vector<128x4096xf32> to vector<1x1x128x4096xf32>
    tpu.vector_store %arg4[%swap3A, %swap3A_5, %swap3A_6, %swap3A_7], %swap3A_10 {strides = array<i32>} : memref<1x3x128x4096xf32, #tpu.memory_space<vmem>>, vector<1x1x128x4096xf32>,
    %broadcast_in_dim3A_11 = arith.constant 0.000000e+00 : f32
    %broadcast_in_dim3A_12 = vector.broadcast %broadcast_in_dim3A_11 : f32 to vector<128x4xf32>
    %slice3A_13 = vector.extract_strided_slice %get3A_3 {offsets = [0, 0], sizes = [128, 4092], strides = [1, 1]} : vector<128x4096xf32> to vector<128x4092xf32>
    %concatenate3A_14 = tpu.concatenate %broadcast_in_dim3A_12, %slice3A_13 in 1 : vector<128x4xf32>, vector<128x4092xf32> -> vector<128x4096xf32>
    %swap3A_15 = arith.constant 0 : index
    %swap3A_16 = arith.constant 1 : index
    %swap3A_17 = arith.constant 0 : index
    %swap3A_18 = arith.constant 0 : index
    %swap3A_19 = vector.load %arg4[%swap3A_15, %swap3A_16, %swap3A_17, %swap3A_18] : memref<1x3x128x4096xf32, #tpu.memory_space<vmem>>, vector<1x1x128x4096xf32>
    %swap3A_20 = vector.shape_cast %swap3A_19 : vector<1x1x128x4096xf32> to vector<128x4096xf32>
    %swap3A_21 = vector.shape_cast %concatenate3A_14 : vector<128x4096xf32> to vector<1x1x128x4096xf32>
    tpu.vector_store %arg4[%swap3A_15, %swap3A_16, %swap3A_17, %swap3A_18], %swap3A_21 {strides = array<i32>} : memref<1x3x128x4096xf32, #tpu.memory_space<vmem>>, vector<1x1x128x4096xf32>,
    %broadcast_in_dim3A_22 = arith.constant 0.000000e+00 : f32
    %broadcast_in_dim3A_23 = vector.broadcast %broadcast_in_dim3A_22 : f32 to vector<128x2xf32>
    %slice3A_24 = vector.extract_strided_slice %get3A_3 {offsets = [0, 0], sizes = [128, 4094], strides = [1, 1]} : vector<128x4096xf32> to vector<128x4094xf32>
    %concatenate3A_25 = tpu.concatenate %broadcast_in_dim3A_23, %slice3A_24 in 1 : vector<128x2xf32>, vector<128x4094xf32> -> vector<128x4096xf32>
    %swap3A_26 = arith.constant 0 : index
    %swap3A_27 = arith.constant 2 : index
    %swap3A_28 = arith.constant 0 : index
    %swap3A_29 = arith.constant 0 : index
    %swap3A_30 = vector.load %arg4[%swap3A_26, %swap3A_27, %swap3A_28, %swap3A_29] : memref<1x3x128x4096xf32, #tpu.memory_space<vmem>>, vector<1x1x128x4096xf32>
    %swap3A_31 = vector.shape_cast %swap3A_30 : vector<1x1x128x4096xf32> to vector<128x4096xf32>
    %swap3A_32 = vector.shape_cast %concatenate3A_25 : vector<128x4096xf32> to vector<1x1x128x4096xf32>
    tpu.vector_store %arg4[%swap3A_26, %swap3A_27, %swap3A_28, %swap3A_29], %swap3A_32 {strides = array<i32>} : memref<1x3x128x4096xf32, #tpu.memory_space<vmem>>, vector<1x1x128x4096xf32>,
    return
  }
  func.func @transform_0(%arg0: i32, %arg1: i32) -> (i32, i32, i32) {
    %c0_i32 = arith.constant 0 : i32
    %c0_i32_0 = arith.constant 0 : i32
    return %arg0, %arg1, %c0_i32 : i32, i32, i32
  }
  func.func @transform_2(%arg0: i32, %arg1: i32) -> (i32, i32, i32, i32) {
    %c0_i32 = arith.constant 0 : i32
    %c0_i32_0 = arith.constant 0 : i32
    %c0_i32_1 = arith.constant 0 : i32
    return %arg0, %c0_i32, %arg1, %c0_i32_0 : i32, i32, i32, i32
  }
}

</mosaic_0001>

<sc_bundles>
// kernel: kernel.4.cloned.1.call-start
scs
__scs_entry_jumppad:
0x0: {  	(pc) =	sbr.rel $0x88, $3  }
0x1: {  	(tag) =	ssettag $0x0;
	lr =	simm.s32 $0x1  }
0x2: {  	[smem:$0x3FA0] =	sst lr;
	_ =	strace $0xD0000000  }
0x3: {  	_ = 	snop  }
0x4: {  	_ = 	snop  }
0x5: {  	_ = 	snop  }
0x6: {  	_ = 	snop  }
0x7: {  	_ = 	snop  }
__scs_overlays_trampoline_lowered:
0x8: {  	[smem:$0x3FAF] =	sst s0  }
0x9: {  	[smem:$0x3FB0] =	sst s1  }
0xa: {  	[smem:$0x3FB1] =	sst s2  }
0xb: {  	[smem:$0x3FB2] =	sst s3  }
0xc: {  	[smem:$0x3FB3] =	sst s4  }
0xd: {  	[smem:$0x3FB4] =	sst s5  }
0xe: {  	[smem:$0x3FB5] =	sst s6  }
0xf: {  	[smem:$0x3FB6] =	sst s7  }
0x10: {  	[smem:$0x3FB7] =	sst s8  }
0x11: {  	[smem:$0x3FB8] =	sst s9;
	s0 =	simm.s32 @!p0 $0x0  }
0x12: {  	s1 =	sld [smem:$0x3F9E];
	s0 =	simm.s32 @p0 $0x1  }
0x13: {  	[smem:$0x3FB9] =	sst s0;
	s0 =	simm.s32 @!p1 $0x0  }
0x14: {  	s2 =	sld [smem:$0x3F9D];
	s0 =	simm.s32 @p1 $0x1  }
0x15: {  	[smem:$0x3FBA] =	sst s0;
	s0 =	simm.s32 @!p2 $0x0  }
0x16: {  	s3 =	sld [smem:$0x3FDB];
	s0 =	simm.s32 @p2 $0x1  }
0x17: {  	s4 =	simm.s32 $0x1BF5;
	[smem:$0x3FBC] =	sst s0  }
0x18: {  	s0 =	sld [smem:$0x3F9F];
	_ =	swait.ge [sflag:s4], $0x0  }
0x19: {  	s7 =	sld [smem:$0x3FA0]  }
0x1a: {  	s8 =	sadd.s32 $0xFFFFE003, lr  }
0x1b: {  	s9 =	sadd.s32 $0xFFFFFEF7, lr;
	s5 =	simm.s32 $0xFFFFFFFF;
	p2 =	slt.u32 s8, $0xFFFFF086  }
0x1c: {  	p1 =	slt.u32 s9, $0xF7A;
	s5 =	simm.s32 @!p2 $0x0  }
0x1d: {  	s5 =	simm.s32 @p1 $0x1;
	p0 =	seq.s32 s7, s2  }
0x1e: {  	s7 =	smul.u32 @!p0 $0xF7A, s2;
	p2 =	seq.s32 @!p0 s5, $0x0  }
0x1f: {  	s9 =	smul.u32 $0xF7A, s1;
	s8 =	simm.s32 @!p0 $0x1BF5;
	p2 =	por !p2, p0  }
0x20: {  	[sflag:s8] =	ssyncset.s32 @!p0 $0xFFFFF086;
	s6 =	sadd.s32 @!p0 s3, s7;
	s7 =	simm.s32 @!p0 $0x108  }
0x21: {  	s3 =	sadd.s32 s3, s9;
	s6 =	sadd.s32 @!p0 $0x88, s6;
	s7 =	simm.s32 @p2 $0x1082  }
0x22: {  	[simem:s7], [sflag:s8] =	dma.local @!p0 [hbm:s6], $0xF7A  }
0x23: {  	s9 =	sor.u32 $0xD0000000, s2;
	s6 =	simm.s32 $0x108;
	_ =	swait.ge @!p0 [sflag:s8], $0x0  }
0x24: {  	s3 =	sadd.s32 $0x88, s3;
	s6 =	simm.s32 @!p1 $0x1082;
	[sflag:s4] =	ssyncset.s32 $0xFFFFF086  }
0x25: {  	[simem:s6], [sflag:s4] =	dma.local [hbm:s3], $0xF7A  }
0x26: {  	[smem:$0x3FA0] =	sst s1;
	(tag) =	ssettag s2;
	_ =	strace s9  }
0x27: {  	s1 =	sld [smem:$0x3FB0]  }
0x28: {  	s2 =	sld [smem:$0x3FB1]  }
0x29: {  	s4 =	sld [smem:$0x3FB3]  }
0x2a: {  	p0 =	seq.s32 s5, $0x0;
	s5 =	sld [smem:$0x3FB4]  }
0x2b: {  	s6 =	sld [smem:$0x3FB5]  }
0x2c: {  	s7 =	sld [smem:$0x3FB6]  }
0x2d: {  	s3 =	simm.s32 $0x108;
	s8 =	sld [smem:$0x3FB7]  }
0x2e: {  	s3 =	simm.s32 @!p0 $0x1082;
	s9 =	sld [smem:$0x3FB8]  }
0x2f: {  	lr =	sadd.s32 s0, s3;
	s0 =	sld [smem:$0x3FAF]  }
0x30: {  	s3 =	sld [smem:$0x3FB2]  }
0x31: {  	[smem:$0x3FBB] =	sst s10  }
0x32: {  	s10 =	sld [smem:$0x3FB9];
	_ =	sdelay $0x3  }
0x33: {  	p0 =	seq.s32 s10, $0x1;
	s10 =	sld [smem:$0x3FBB];
	_ =	sdelay $0x3  }
0x34: {  	[smem:$0x3FBB] =	sst s10  }
0x35: {  	s10 =	sld [smem:$0x3FBA];
	_ =	sdelay $0x3  }
0x36: {  	p1 =	seq.s32 s10, $0x1;
	s10 =	sld [smem:$0x3FBB];
	_ =	sdelay $0x3  }
0x37: {  	[smem:$0x3FBB] =	sst s10  }
0x38: {  	s10 =	sld [smem:$0x3FBC]  }
0x39: {  	_ = 	snop;
	(pc) =	sbr.ind lr, $3  }
0x3a: {  	_ = 	snop  }
0x3b: {  	_ = 	snop  }
0x3c: {  	p2 =	seq.s32 s10, $0x1;
	s10 =	sld [smem:$0x3FBB]  }
0x3d: {  	_ =	shalt  }
0x3e: {  	_ =	shalt  }
0x3f: {  	_ =	shalt  }
0x40: {  	_ =	shalt  }
0x41: {  	_ =	shalt  }
0x42: {  	_ =	shalt  }
0x43: {  	_ =	shalt  }
0x44: {  	_ =	shalt  }
0x45: {  	_ =	shalt  }
0x46: {  	_ =	shalt  }
0x47: {  	_ =	shalt  }
0x48: {  	_ =	shalt  }
0x49: {  	_ =	shalt  }
0x4a: {  	_ =	shalt  }
0x4b: {  	_ =	shalt  }
0x4c: {  	_ =	shalt  }
0x4d: {  	_ =	shalt  }
0x4e: {  	_ =	shalt  }
0x4f: {  	_ =	shalt  }
0x50: {  	_ =	shalt  }
0x51: {  	_ =	shalt  }
0x52: {  	_ =	shalt  }
0x53: {  	_ =	shalt  }
0x54: {  	_ =	shalt  }
0x55: {  	_ =	shalt  }
0x56: {  	_ =	shalt  }
0x57: {  	_ =	shalt  }
0x58: {  	_ =	shalt  }
0x59: {  	_ =	shalt  }
0x5a: {  	_ =	shalt  }
0x5b: {  	_ =	shalt  }
0x5c: {  	_ =	shalt  }
0x5d: {  	_ =	shalt  }
0x5e: {  	_ =	shalt  }
0x5f: {  	_ =	shalt  }
0x60: {  	_ =	shalt  }
0x61: {  	_ =	shalt  }
0x62: {  	_ =	shalt  }
0x63: {  	_ =	shalt  }
0x64: {  	_ =	shalt  }
0x65: {  	_ =	shalt  }
0x66: {  	_ =	shalt  }
0x67: {  	_ =	shalt  }
0x68: {  	_ =	shalt  }
0x69: {  	_ =	shalt  }
0x6a: {  	_ =	shalt  }
0x6b: {  	_ =	shalt  }
0x6c: {  	_ =	shalt  }
0x6d: {  	_ =	shalt  }
0x6e: {  	_ =	shalt  }
0x6f: {  	_ =	shalt  }
0x70: {  	_ =	shalt  }
0x71: {  	_ =	shalt  }
0x72: {  	_ =	shalt  }
0x73: {  	_ =	shalt  }
0x74: {  	_ =	shalt  }
0x75: {  	_ =	shalt  }
0x76: {  	_ =	shalt  }
0x77: {  	_ =	shalt  }
0x78: {  	_ =	shalt  }
0x79: {  	_ =	shalt  }
0x7a: {  	_ =	shalt  }
0x7b: {  	_ =	shalt  }
0x7c: {  	_ =	shalt  }
0x7d: {  	_ =	shalt  }
0x7e: {  	_ =	shalt  }
0x7f: {  	_ =	shalt  }
0x80: {  	_ =	shalt  }
0x81: {  	_ =	shalt  }
0x82: {  	_ =	shalt  }
0x83: {  	_ =	shalt  }
0x84: {  	_ =	shalt  }
0x85: {  	_ =	shalt  }
0x86: {  	_ =	shalt  }
0x87: {  	_ =	shalt  }
.Lfunc_end0:
.L_simem_size_0:
called_computation_lowered:
.L_overlay_start_0:
0x88: {  	s2 =	sld [smem:$0x3FD9]  }
0x89: {  	s3 =	sld [smem:$0x3FFE];
	_ =	sdelay $0x1  }
0x8a: {  	s1 =	srdreg.scid  }
0x8b: {  	s0 =	sand.u32 $0x1, s1  }
0x8c: {  	s17 =	sshll.u32 s0, $0xA;
	s2 =	sadd.s32 s3, s2  }
0x8d: {  	s2 =	sadd.s32 s2, s17  }
0x8e: {  	[smem:$0x3FC7] =	sst s2  }
0x8f: {  	_ = 	snop  }
0x90: {  	s2 =	sld [smem:$0x3FD0];
	(tm) =	ssettm $0x1  }
0x91: {  	s18 =	sld [smem:$0x3FFB];
	_ =	sdelay $0x3  }
0x92: {  	_ =	strace s18  }
0x93: {  	s3 =	sld [smem:$0x3FFC];
	_ =	sdelay $0x3  }
0x94: {  	_ =	strace s3  }
0x95: {  	s3 =	sld [smem:$0x3FFD];
	_ =	sdelay $0x3  }
0x96: {  	_ =	strace s3  }
0x97: {  	_ =	strace $0x8FFFFFFF  }
0x98: {  	s19 =	sld [smem:$0x3FDB];
	_ =	sdelay $0x1  }
0x99: {  	s4 =	simm.s32 $_scs_section_size  }
0x9a: {  	s5 =	simm.s32 $_size__tile_overlayer_lowered;
	s6 =	simm.s32 $_tile_overlayer_lowered  }
0x9b: {  	s22 =	simm.s32 $0x1BFF;
	s21 =	sshll.u32 s6, $0x1;
	s3 =	sadd.s32 s4, s19  }
0x9c: {  	s7 =	simm.s32 $0x0;
	s20 =	sshll.u32 s5, $0x1;
	s5 =	sadd.s32 s21, s3  }
0x9d: {  	[timem:s7], [sflag:s22] =	dma.local [hbm:s5], s20  }
0x9e: {  	_ =	swait.ge [sflag:s22], s20  }
0x9f: {  	s4 =	ssub.s32 $0x0, s20;
	[sflag:s22] =	ssyncset.done $0x0  }
0xa0: {  	[sflag:s22] =	ssyncadd.s32 s4;
	_ =	sdelay $0x1  }
0xa1: {  	s23 =	simm.s32 $0x1B8B  }
0xa2: {  	_ =	swait.ge [sflag:s23], $0x1  }
0xa3: {  	[sflag:s23] =	ssyncset.done $0x0  }
0xa4: {  	s25 =	simm.s32 $0x1B8E;
	s24 =	sld [smem:$0x3FFE];
	[sflag:s23] =	ssyncadd.s32 $0xFFFFFFFF  }
0xa5: {  	s26 =	simm.s32 $execute0_lowered;
	[smem:$0x3FD2] =	sst s25  }
0xa6: {  	s5 =	sshll.u32 s26, $0x1;
	_ =	strace $0x80000046;
	[dreg:$0x1] =	wrdreg $0xFFFFFFFF  }
0xa7: {  	s28 =	simm.s32 $_size_execute0_lowered;
	s3 =	sadd.s32 s3, s5;
	[dreg:$0x0] =	wrdreg $0x0  }
0xa8: {  	s5 =	sshll.u32 s28, $0x1;
	[dreg:$0x2] =	wrdreg s3  }
0xa9: {  	[dreg:$0x3] =	wrdreg s5  }
0xaa: {  	[dreg:$0x4] =	wrdreg $0xC0  }
0xab: {  	_ =	task [dreg:s7], $0x5FFFF  }
0xac: {  	[dreg:$0x1] =	wrdreg $0xFFFFFFFF  }
0xad: {  	[dreg:$0x0] =	wrdreg $0x60  }
0xae: {  	[dreg:$0x2] =	wrdreg s2  }
0xaf: {  	[dreg:$0x3] =	wrdreg s24  }
0xb0: {  	[dreg:$0x4] =	wrdreg $0x9  }
0xb1: {  	_ =	task.clear_ibuf [dreg:s7], $0x5FFFF;
	_ =	strace $0x90000046  }
0xb2: {  	s29 =	simm.s32 $0x9;
	_ =	strace $0x80000048  }
0xb3: {  	_ =	swait.ge [sflag:s29], $0x1  }
0xb4: {  	[sflag:s29] =	ssyncadd.s32 $0xFFFFFFFF  }
0xb5: {  	_ =	strace $0x90000048  }
0xb6: {  	_ =	sfence  }
0xb7: {  	s30 =	sld [smem:$0x0];
	_ =	sdelay $0x2  }
0xb8: {  	s31 =	sshll.u32 s1, $0xD;
	s1 =	sshrl.u32 s1, $0x2  }
0xb9: {  	s3 =	sand.u32 $0x4000, s31;
	s1 =	sadd.s32 s1, s30  }
0xba: {  	s0 =	sor.u32 s3, s0;
	s1 =	sshll.u32 s1, $0x11  }
0xbb: {  	s0 =	sor.u32 s1, s0  }
0xbc: {  	s0 =	sadd.s32 $0x8F2B, s0  }
0xbd: {  	[sflag:s0] =	ssyncadd.remote.s32 $0x1  }
0xbe: {  	_ =	sfence.sel $0xFFFF  }
0xbf: {  	[dreg:$0x0] =	wrdreg $0xFFFFFFFF;
	(pc) =	sbr.abs _section_cstart, $3  }
0xc0: {  	[dreg:$0x1] =	wrdreg $0xFFFFFFFF  }
0xc1: {  	_ =	task.clear_ibuf [dreg:s7], $0x2FFFF;
	_ =	strace $0x9FFFFFFF  }
0xc2: {  	(tm) =	ssettm $0x7FFFFFFF  }
0xc3: {  	_ =	shalt  }
tec
execute0_lowered:
.L_overlay_start_1:
0x0: {  	(tag) =	ssettag $0x1  }
0x1: {  	s1 =	srdreg.scid;
	s0 =	stileid.u32  }
0x2: {  	s2 =	sand.u32 $0x1, s1;
	s26 =	sshll.u32 s0, $0x1;
	s28 =	sshrl.u32 s0, $0x3  }
0x3: {  	s3 =	sor.u32 s2, s26;
	s1 =	smul.u32 $0x100900, s28  }
0x4: {  	s4 =	smul.u32 $0x30, s3;
	_ =	sdelay $0x1  }
0x5: {  	s5 =	rddreg [dreg:$0x0];
	s4 =	sadd.s32 s4, s1  }
0x6: {  	s6 =	rddreg [dreg:$0x1];
	s2 =	ssub.s32 $0x2, s2;
	s4 =	sshll.u32 s4, $0x9  }
0x7: {  	s7 =	simm.s32 $0x0;
	s29 =	sshrl.u32 s2, $0x1;
	s4 =	sadd.s32 $0x120000, s4  }
0x8: {  	[smem:$0x7FF] =	sst s7;
	s30 =	ssub.s32 s2, s29;
	s4 =	sand.u32 $0x1FFFE000, s4  }
0x9: {  	s3 =	smul.u32 $0x6000, s3;
	s4 =	sadd.s32 s4, s6;
	s6 =	smax.u32 s30, $0x1  }
0xa: {  	s31 =	sshll.u32 s0, $0x6;
	s1 =	rddreg [dreg:$0x2];
	p0 =	sne.s32 s6, $0x1  }
.Ltmp0:
0xb: {  	_ =	strace $0x80000047;
	s3 =	sadd.s32 s5, s3;
	(pc) =	sbr.rel @!p0 .LBB2_2-.Ltmp0, $4  }
0xc: {  	s5 =	simm.s32 $0x1;
	s2 =	sadd.s32 $0x400, s4;
	s4 =	sor.u32 $0x1C01, s31  }
0xd: {  	[hbm:s2], [sflag:s4] =	dma.local [hbm:s3], $0x6000  }
0xe: {  	_ =	swait.ge [sflag:s5], $0x6000  }
0xf: {  	s6 =	sadd.s32 $0xFFFFFFFF, s6;
	[sflag:s5] =	ssyncset.done $0x0  }
.LBB2_1:
0x10: {  	p0 =	sne.s32 s6, $0x1;
	s6 =	sadd.s32 $0xFFFFFFFF, s6;
	[sflag:s5] =	ssyncadd.s32 $0xFFFFA000  }
.Ltmp1:
0x11: {  	(pc) =	sbr.rel @p0 .LBB2_1-.Ltmp1, $4  }
0x12: {  	_ = 	snop  }
0x13: {  	[hbm:s2], [sflag:s4] =	dma.local [hbm:s3], $0x6000  }
0x14: {  	_ =	swait.ge [sflag:s5], $0x6000  }
0x15: {  	[sflag:s5] =	ssyncset.done $0x0  }
.LBB2_2:
0x16: {  	[sflag:s5] =	ssyncadd.s32 $0xFFFFA000  }
0x17: {  	_ =	sfence.sel $0x180000  }
0x18: {  	[bflag:$0x0] =	sbarrier.arrive $0xFFFF  }
0x19: {  	p0 =	sne.s32 s0, $0x0;
	_ =	strace $0x90000047  }
0x1a: {  	s0 =	sadd.s32 @!p0 $0x100000, s1;
	[bflag:$0x2] =	sbarrier.arrive $0xFFFF  }
0x1b: {  	[sflag:s0] =	ssyncadd.tile.s32 @!p0 $0x1;
	_ =	shalt  }
.Lfunc_end2:
_tile_overlayer_lowered:
.L_overlay_start_2:
0x1c: {  	(tag) =	ssettag $0x2  }
0x1d: {  	s0 =	rddreg [dreg:$0x0];
	s2 =	stileid.u32  }
0x1e: {  	s1 =	rddreg [dreg:$0x1];
	p0 =	sne.s32 s2, $0x0  }
0x1f: {  	s3 =	rddreg [dreg:$0x2];
	[bflag:$0x3] =	sbarrier.arrive $0xFFFF;
	s2 =	simm.s32 @!p0 $0x1C02  }
0x20: {  	[timem:s3], [sflag:s2] =	dma.local @!p0 [hbm:s0], s1  }
0x21: {  	s0 =	simm.s32 @!p0 $0x2  }
0x22: {  	_ =	swait.ge @!p0 [sflag:s0], s1  }
0x23: {  	s1 =	ssub.s32 @!p0 $0x0, s1;
	[sflag:s0] =	ssyncset.done @!p0 $0x0  }
0x24: {  	[sflag:s0] =	ssyncadd.s32 @!p0 s1  }
0x25: {  	[bflag:$0x3] =	sbarrier.arrive $0xFFFF  }
0x26: {  	_ =	shalt  }

</sc_bundles>
